<compile_context>
chip_gen: v7x
topology: tpu7x:2x2x1
jax: 0.10.2.dev20260603
libtpu: 0.0.44.dev20260713+nightly
codegen_flags: <defaults>
</compile_context>

<pallas_src>
import functools

import jax
import jax.numpy as jnp
from jax import lax
from jax.experimental import pallas as pl
from jax.experimental.pallas import tpu as pltpu
from jax.experimental.pallas import tpu_sc as plsc

_VOCAB = 100000
_EMBED = 64
_BATCH = 1024

_BV = 1024
_NB = 6
_STEPS = pl.cdiv(_VOCAB, _BV)
_TAIL = _VOCAB - (_STEPS - 1) * _BV

def _make_sc_gather(B, D):
    info = plsc.get_sparse_core_info()
    nw = info.num_cores * info.num_subcores
    b_per_w = B // nw
    mesh = plsc.VectorSubcoreMesh(core_axis_name="c", subcore_axis_name="s")

    @functools.partial(
        pl.kernel,
        mesh=mesh,
        out_type=jax.ShapeDtypeStruct((B, D), jnp.float32),
        scratch_types=[
            pltpu.VMEM((b_per_w,), jnp.int32),
            pltpu.VMEM((b_per_w,), jnp.int32),
            pltpu.VMEM((b_per_w, D), jnp.float32),
            pltpu.SemaphoreType.DMA,
        ],
        compiler_params=pltpu.CompilerParams(use_tc_tiling_on_sc=True),
    )
    def gather_rows(idx_hbm, table_hbm, out_hbm, idx_v, pair_v, rows_v, sem):
        wid = lax.axis_index("s") * info.num_cores + lax.axis_index("c")
        base = wid * b_per_w
        pltpu.sync_copy(idx_hbm.at[pl.ds(base, b_per_w)], idx_v)
        for i in range(b_per_w // 16):
            sl = pl.ds(i * 16, 16)
            v = idx_v[sl]
            pair_v[sl] = (
                lax.shift_left(lax.shift_right_logical(v, 11), 10)
                | (v & 1023)
            )
        pltpu.async_copy(table_hbm.at[pair_v], rows_v, sem).wait()
        pltpu.sync_copy(rows_v, out_hbm.at[pl.ds(base, b_per_w)])

    return gather_rows


_sc_gather = _make_sc_gather(_BATCH, 128)

_PAIRS = 50176


def _mm_body(ctr_ref, emb_ref, wt_ref, out_hbm, embt_s, scr, sems):
    j = pl.program_id(0)
    jm = lax.rem(j, _NB)

    @pl.when(j == 0)
    def _tr():
        par = (lax.shift_right_logical(ctr_ref[...], 10) & 1).astype(
            jnp.float32
        )
        emb64 = (emb_ref[:, pl.ds(0, _EMBED)] * (1.0 - par)
                 + emb_ref[:, pl.ds(_EMBED, _EMBED)] * par)
        embt_s[...] = emb64.T

    @pl.when(j >= _NB)
    def _wait_reuse():
        pltpu.make_async_copy(
            scr.at[jm], out_hbm.at[pl.ds(0, _BV), :], sems.at[jm]
        ).wait()

    scr[jm] = lax.dot_general(
        wt_ref[...], embt_s[...],
        dimension_numbers=(((0,), (0,)), ((), ())),
        preferred_element_type=jnp.float32,
    )

    @pl.when(j < _STEPS - 1)
    def _start_full():
        pltpu.make_async_copy(
            scr.at[jm], out_hbm.at[pl.ds(j * _BV, _BV), :], sems.at[jm]
        ).start()

    @pl.when(j == _STEPS - 1)
    def _tail_and_drain():
        tm = (_STEPS - 1) % _NB
        base = (_STEPS - 1) * _BV
        pltpu.make_async_copy(
            scr.at[tm, pl.ds(0, _TAIL), :],
            out_hbm.at[pl.ds(base, _TAIL), :],
            sems.at[tm],
        ).start()
        for k in range(_NB):
            if k == tm:
                pltpu.make_async_copy(
                    scr.at[k, pl.ds(0, _TAIL), :],
                    out_hbm.at[pl.ds(0, _TAIL), :],
                    sems.at[k],
                ).wait()
            else:
                pltpu.make_async_copy(
                    scr.at[k], out_hbm.at[pl.ds(0, _BV), :], sems.at[k]
                ).wait()


def _tc_project(ctr, emb, wt):
    return pl.pallas_call(
        _mm_body,
        grid=(_STEPS,),
        in_specs=[
            pl.BlockSpec((_BATCH, 1), lambda j: (0, 0)),
            pl.BlockSpec((_BATCH, 128), lambda j: (0, 0)),
            pl.BlockSpec((_EMBED, _BV), lambda j: (0, j)),
        ],
        out_specs=pl.BlockSpec(memory_space=pl.ANY),
        out_shape=jax.ShapeDtypeStruct((_VOCAB, _BATCH), jnp.float32),
        scratch_shapes=[
            pltpu.VMEM((_EMBED, _BATCH), jnp.float32),
            pltpu.VMEM((_NB, _BV, _BATCH), jnp.float32),
            pltpu.SemaphoreType.DMA((_NB,)),
        ],
        compiler_params=pltpu.CompilerParams(
            dimension_semantics=("arbitrary",),
            fuse_transposed_lhs_in_matmul=True,
        ),
    )(ctr, emb, wt)


_BT = 2048


_NPB = 4
_PSTEPS = _PAIRS // 1024


def _tp_body(tt_ref, out_hbm, scr, sems):
    j = pl.program_id(0)
    jm = lax.rem(j, _NPB)

    @pl.when(j >= _NPB)
    def _wait_reuse():
        pltpu.make_async_copy(
            scr.at[jm], out_hbm.at[pl.ds(0, 1024), :], sems.at[jm]
        ).wait()

    scr[jm, :, pl.ds(0, _EMBED)] = tt_ref[:, pl.ds(0, 1024)].T
    scr[jm, :, pl.ds(_EMBED, _EMBED)] = tt_ref[:, pl.ds(1024, 1024)].T
    pltpu.make_async_copy(
        scr.at[jm], out_hbm.at[pl.ds(j * 1024, 1024), :], sems.at[jm]
    ).start()

    @pl.when(j == _PSTEPS - 1)
    def _drain():
        for k in range(_NPB):
            pltpu.make_async_copy(
                scr.at[k], out_hbm.at[pl.ds(0, 1024), :], sems.at[k]
            ).wait()


def _tc_transpose_pack(tt):
    return pl.pallas_call(
        _tp_body,
        grid=(_PSTEPS,),
        in_specs=[
            pl.BlockSpec((_EMBED, 2048), lambda j: (0, j)),
        ],
        out_specs=pl.BlockSpec(memory_space=pl.ANY),
        out_shape=jax.ShapeDtypeStruct((_PAIRS, 128), jnp.float32),
        scratch_shapes=[
            pltpu.VMEM((_NPB, 1024, 128), jnp.float32),
            pltpu.SemaphoreType.DMA((_NPB,)),
        ],
        compiler_params=pltpu.CompilerParams(
            dimension_semantics=("arbitrary",),
        ),
    )(tt)


def kernel(center, emb_table, w):
    pairs = _tc_transpose_pack(emb_table.T)
    emb = _sc_gather(center, pairs)
    outT = _tc_project(center.reshape(_BATCH, 1), emb, w.T)
    return outT.T

# --- scband reference (transcript-rebuilt; emitter-appended) ---
"""Pipeline reference for scband-skip-gram-58428735095609 (READ-ONLY COPY).

The authoritative reference and input builder live on the scoring server;
editing this copy changes nothing except your own understanding.
"""

import jax, jax.numpy as jnp
import numpy as np

VOCAB = 100000
EMBED = 64
BATCH = 1024

def setup_inputs(seed: int = 0) -> dict:
    key = jax.random.key(seed)
    k1, k2, k3 = jax.random.split(key, 3)
    center = jax.random.randint(k1, (BATCH,), 0, VOCAB, dtype=jnp.int64 if jax.config.jax_enable_x64 else jnp.int32).astype(jnp.int32)
    # nn.Embedding weight: [vocab, embed]
    emb_table = jax.random.normal(k2, (VOCAB, EMBED), dtype=jnp.float32)
    # nn.Linear(embed, vocab, bias=False) weight: [vocab, embed]
    w = jax.random.normal(k3, (VOCAB, EMBED), dtype=jnp.float32) * (1.0 / np.sqrt(EMBED))
    return {"center": center, "emb_table": emb_table, "w": w}

def reference(center, emb_table, w):
    # emb_center = self.embeddings(center)  -> gather rows
    emb_center = jnp.take(emb_table, center, axis=0)            # [B, EMBED]
    # outputs = self.w(emb_center)  -> x @ W.T (Linear, no bias)
    outputs = emb_center @ w.T                                   # [B, VOCAB]
    return outputs

if __name__ == "__main__":
    import jax
    _d = setup_inputs()
    print(jax.jit(kernel)(*tuple(_d.values())))

</pallas_src>

<mosaic_0001>
#map = affine_map<(d0, d1) -> (0)>
#map1 = affine_map<(d0, d1) -> (0, 0)>
module attributes {stable_mosaic.version = 14 : i64} {
  func.func @gather_rows(%arg0: i32, %arg1: i32, %arg2: memref<1024xi32, #tpu.memory_space<hbm>>, %arg3: memref<50176x128xf32, #tpu.memory_space<hbm>>, %arg4: memref<1024x128xf32, #tpu.memory_space<hbm>>, %arg5: memref<32xi32, #tpu.memory_space<vmem>>, %arg6: memref<32xi32, #tpu.memory_space<vmem>>, %arg7: memref<32x128xf32, #tpu.memory_space<vmem>>, %arg8: memref<!tpu.dma_semaphore, #tpu.memory_space<semaphore_mem>>) attributes {dimension_semantics = [#tpu.dimension_semantics<core_parallel>, #tpu.dimension_semantics<subcore_parallel>], iteration_bounds = array<i64: 2, 16>, scalar_prefetch = 0 : i64, scratch_operands = 4 : i64, tpu.core_type = #tpu.core_type<sc_vector_subcore>, window_params = [{transform_indices = #map}, {transform_indices = #map1}, {transform_indices = #map1}]} {
    %mul3A = arith.constant 2 : i32
    %mul3A_0 = arith.muli %arg1, %mul3A : i32
    %add3A = arith.addi %mul3A_0, %arg0 : i32
    %mul3A_1 = arith.constant 32 : i32
    %mul3A_2 = arith.muli %add3A, %mul3A_1 : i32
    "tpu.region"() ({
      %run_scoped3A = tpu.sem_alloc : memref<!tpu.dma_semaphore, #tpu.memory_space<semaphore_mem>>
      %dma_start3A_35 = tpu.memref_slice %arg2[%mul3A_2] : memref<1024xi32, #tpu.memory_space<hbm>> -> memref<32xi32, #tpu.memory_space<hbm>>
      %dma_start3A_36 = tpu.memref_slice %arg2[%mul3A_2] : memref<1024xi32, #tpu.memory_space<hbm>> -> memref<32xi32, #tpu.memory_space<hbm>>
      tpu.enqueue_dma source(%dma_start3A_36 : memref<32xi32, #tpu.memory_space<hbm>>) target(%arg5 : memref<32xi32, #tpu.memory_space<vmem>>) target_semaphore(%run_scoped3A : memref<!tpu.dma_semaphore, #tpu.memory_space<semaphore_mem>>)
      %dma_wait3A_37 = tpu.memref_slice %arg2[%mul3A_2] : memref<1024xi32, #tpu.memory_space<hbm>> -> memref<32xi32, #tpu.memory_space<hbm>>
      %dma_wait3A_38 = tpu.memref_slice %arg2[%mul3A_2] : memref<1024xi32, #tpu.memory_space<hbm>> -> memref<32xi32, #tpu.memory_space<hbm>>
      tpu.wait_dma2 semaphore(%run_scoped3A : memref<!tpu.dma_semaphore, #tpu.memory_space<semaphore_mem>>) src(%dma_wait3A_38 : memref<32xi32, #tpu.memory_space<hbm>>) dst(%arg5 : memref<32xi32, #tpu.memory_space<vmem>>)
      tpu.yield
    }) : () -> ()
    %get3A = arith.constant 0 : index
    %get3A_3 = tpu.vector_load %arg5[%get3A] {strides = array<i32>} : memref<32xi32, #tpu.memory_space<vmem>>, vector<16xi32>,
    %get3A_4 = vector.shape_cast %get3A_3 : vector<16xi32> to vector<16xi32>
    %shift_right_logical3A = arith.constant 11 : i32
    %shift_right_logical3A_5 = vector.broadcast %shift_right_logical3A : i32 to vector<16xi32>
    %shift_right_logical3A_6 = arith.shrui %get3A_4, %shift_right_logical3A_5 : vector<16xi32>
    %shift_left3A = arith.constant 10 : i32
    %shift_left3A_7 = vector.broadcast %shift_left3A : i32 to vector<16xi32>
    %shift_left3A_8 = arith.shli %shift_right_logical3A_6, %shift_left3A_7 : vector<16xi32>
    %and3A = arith.constant 1023 : i32
    %and3A_9 = vector.broadcast %and3A : i32 to vector<16xi32>
    %and3A_10 = arith.andi %get3A_4, %and3A_9 : vector<16xi32>
    %or3A = arith.ori %shift_left3A_8, %and3A_10 : vector<16xi32>
    %swap3A = arith.constant 0 : index
    %swap3A_11 = tpu.vector_load %arg6[%swap3A] {strides = array<i32>} : memref<32xi32, #tpu.memory_space<vmem>>, vector<16xi32>,
    %swap3A_12 = vector.shape_cast %swap3A_11 : vector<16xi32> to vector<16xi32>
    %swap3A_13 = vector.shape_cast %or3A : vector<16xi32> to vector<16xi32>
    tpu.vector_store %arg6[%swap3A], %swap3A_13 {strides = array<i32>} : memref<32xi32, #tpu.memory_space<vmem>>, vector<16xi32>,
    %get3A_14 = arith.constant 16 : index
    %get3A_15 = tpu.vector_load %arg5[%get3A_14] {strides = array<i32>} : memref<32xi32, #tpu.memory_space<vmem>>, vector<16xi32>,
    %get3A_16 = vector.shape_cast %get3A_15 : vector<16xi32> to vector<16xi32>
    %shift_right_logical3A_17 = arith.constant 11 : i32
    %shift_right_logical3A_18 = vector.broadcast %shift_right_logical3A_17 : i32 to vector<16xi32>
    %shift_right_logical3A_19 = arith.shrui %get3A_16, %shift_right_logical3A_18 : vector<16xi32>
    %shift_left3A_20 = arith.constant 10 : i32
    %shift_left3A_21 = vector.broadcast %shift_left3A_20 : i32 to vector<16xi32>
    %shift_left3A_22 = arith.shli %shift_right_logical3A_19, %shift_left3A_21 : vector<16xi32>
    %and3A_23 = arith.constant 1023 : i32
    %and3A_24 = vector.broadcast %and3A_23 : i32 to vector<16xi32>
    %and3A_25 = arith.andi %get3A_16, %and3A_24 : vector<16xi32>
    %or3A_26 = arith.ori %shift_left3A_22, %and3A_25 : vector<16xi32>
    %swap3A_27 = arith.constant 16 : index
    %swap3A_28 = tpu.vector_load %arg6[%swap3A_27] {strides = array<i32>} : memref<32xi32, #tpu.memory_space<vmem>>, vector<16xi32>,
    %swap3A_29 = vector.shape_cast %swap3A_28 : vector<16xi32> to vector<16xi32>
    %swap3A_30 = vector.shape_cast %or3A_26 : vector<16xi32> to vector<16xi32>
    tpu.vector_store %arg6[%swap3A_27], %swap3A_30 {strides = array<i32>} : memref<32xi32, #tpu.memory_space<vmem>>, vector<16xi32>,
    %dma_start3A = arith.constant 0 : i32
    %dma_start3A_31 = arith.constant 0 : i32
    %dma_start3A_32 = tpu.memref_slice %arg3[%dma_start3A, %dma_start3A_31] : memref<50176x128xf32, #tpu.memory_space<hbm>> -> memref<50176x128xf32, #tpu.memory_space<hbm>>
    tpu.enqueue_indirect_dma source(%dma_start3A_32 : memref<50176x128xf32, #tpu.memory_space<hbm>>) target(%arg7 : memref<32x128xf32, #tpu.memory_space<vmem>>) offsets(%arg6 : memref<32xi32, #tpu.memory_space<vmem>>) semaphore(%arg8 : memref<!tpu.dma_semaphore, #tpu.memory_space<semaphore_mem>>)
    %dma_wait3A = arith.constant 0 : i32
    %dma_wait3A_33 = arith.constant 0 : i32
    %dma_wait3A_34 = tpu.memref_slice %arg3[%dma_wait3A, %dma_wait3A_33] : memref<50176x128xf32, #tpu.memory_space<hbm>> -> memref<50176x128xf32, #tpu.memory_space<hbm>>
    tpu.wait_indirect_dma semaphore(%arg8 : memref<!tpu.dma_semaphore, #tpu.memory_space<semaphore_mem>>) src(%dma_wait3A_34 : memref<50176x128xf32, #tpu.memory_space<hbm>>) dst(%arg7 : memref<32x128xf32, #tpu.memory_space<vmem>>)
    "tpu.region"() ({
      %run_scoped3A = tpu.sem_alloc : memref<!tpu.dma_semaphore, #tpu.memory_space<semaphore_mem>>
      %dma_start3A_35 = arith.constant 0 : i32
      %dma_start3A_36 = tpu.memref_slice %arg4[%mul3A_2, %dma_start3A_35] : memref<1024x128xf32, #tpu.memory_space<hbm>> -> memref<32x128xf32, #tpu.memory_space<hbm>>
      %dma_start3A_37 = arith.constant 0 : i32
      %dma_start3A_38 = tpu.memref_slice %arg4[%mul3A_2, %dma_start3A_37] : memref<1024x128xf32, #tpu.memory_space<hbm>> -> memref<32x128xf32, #tpu.memory_space<hbm>>
      tpu.enqueue_dma source(%arg7 : memref<32x128xf32, #tpu.memory_space<vmem>>) target(%dma_start3A_38 : memref<32x128xf32, #tpu.memory_space<hbm>>) target_semaphore(%run_scoped3A : memref<!tpu.dma_semaphore, #tpu.memory_space<semaphore_mem>>)
      %dma_wait3A_39 = arith.constant 0 : i32
      %dma_wait3A_40 = tpu.memref_slice %arg4[%mul3A_2, %dma_wait3A_39] : memref<1024x128xf32, #tpu.memory_space<hbm>> -> memref<32x128xf32, #tpu.memory_space<hbm>>
      %dma_wait3A_41 = arith.constant 0 : i32
      %dma_wait3A_42 = tpu.memref_slice %arg4[%mul3A_2, %dma_wait3A_41] : memref<1024x128xf32, #tpu.memory_space<hbm>> -> memref<32x128xf32, #tpu.memory_space<hbm>>
      tpu.wait_dma2 semaphore(%run_scoped3A : memref<!tpu.dma_semaphore, #tpu.memory_space<semaphore_mem>>) src(%arg7 : memref<32x128xf32, #tpu.memory_space<vmem>>) dst(%dma_wait3A_42 : memref<32x128xf32, #tpu.memory_space<hbm>>)
      tpu.yield
    }) : () -> ()
    return
  }
}

module attributes {stable_mosaic.version = 14 : i64} {
  func.func @_tp_body(%arg0: i32, %arg1: memref<64x2048xf32, #tpu.memory_space<vmem>>, %arg2: memref<50176x128xf32, #tpu.memory_space<any>>, %arg3: memref<4x1024x128xf32, #tpu.memory_space<vmem>>, %arg4: memref<4x!tpu.dma_semaphore, #tpu.memory_space<semaphore_mem>>) attributes {dimension_semantics = [#tpu.dimension_semantics<arbitrary>], iteration_bounds = array<i64: 49>, scalar_prefetch = 0 : i64, scratch_operands = 2 : i64, tpu.core_type = #tpu.core_type<tc>, window_params = [{transform_indices = @transform_0, window_bounds = array<i64: 64, 2048>}, {}]} {
    %rem3A = arith.constant 4 : i32
    %rem3A_0 = arith.remsi %arg0, %rem3A : i32
    %ge3A = arith.constant 4 : i32
    %ge3A_1 = arith.cmpi sge, %arg0, %ge3A : i32
    %convert_element_type3A = arith.extui %ge3A_1 : i1 to i32
    %cond3A = arith.constant 0 : i32
    %cond3A_2 = arith.cmpi ne, %convert_element_type3A, %cond3A : i32
    scf.if %cond3A_2 {
      %dma_wait3A = tpu.memref_slice %arg4[%rem3A_0] : memref<4x!tpu.dma_semaphore, #tpu.memory_space<semaphore_mem>> -> memref<1x!tpu.dma_semaphore, #tpu.memory_space<semaphore_mem>>
      %dma_wait3A_32 = tpu.memref_squeeze %dma_wait3A : memref<1x!tpu.dma_semaphore, #tpu.memory_space<semaphore_mem>> -> memref<!tpu.dma_semaphore, #tpu.memory_space<semaphore_mem>>
      %dma_wait3A_33 = arith.constant 0 : i32
      %dma_wait3A_34 = arith.constant 0 : i32
      %dma_wait3A_35 = tpu.memref_slice %arg2[%dma_wait3A_33, %dma_wait3A_34] : memref<50176x128xf32, #tpu.memory_space<any>> -> memref<1024x128xf32, #tpu.memory_space<any>>
      %dma_wait3A_36 = arith.constant 0 : i32
      %dma_wait3A_37 = arith.constant 0 : i32
      %dma_wait3A_38 = tpu.memref_slice %arg3[%rem3A_0, %dma_wait3A_36, %dma_wait3A_37] : memref<4x1024x128xf32, #tpu.memory_space<vmem>> -> memref<1x1024x128xf32, #tpu.memory_space<vmem>>
      %dma_wait3A_39 = tpu.memref_squeeze %dma_wait3A_38 : memref<1x1024x128xf32, #tpu.memory_space<vmem>> -> memref<1024x128xf32, #tpu.memory_space<vmem>>
      tpu.wait_dma2 semaphore(%dma_wait3A_32 : memref<!tpu.dma_semaphore, #tpu.memory_space<semaphore_mem>>) src(%dma_wait3A_39 : memref<1024x128xf32, #tpu.memory_space<vmem>>) dst(%dma_wait3A_35 : memref<1024x128xf32, #tpu.memory_space<any>>)
    } else {
    }
    %get3A = arith.constant 0 : index
    %get3A_3 = arith.constant 0 : index
    %get3A_4 = vector.load %arg1[%get3A, %get3A_3] : memref<64x2048xf32, #tpu.memory_space<vmem>>, vector<64x1024xf32>
    %transpose3A = tpu.transpose %get3A_4, [1, 0] : vector<64x1024xf32> -> vector<1024x64xf32>
    %swap3A = arith.index_cast %rem3A_0 : i32 to index
    %swap3A_5 = arith.constant 0 : index
    %swap3A_6 = arith.constant 0 : index
    %swap3A_7 = vector.load %arg3[%swap3A, %swap3A_5, %swap3A_6] : memref<4x1024x128xf32, #tpu.memory_space<vmem>>, vector<1x1024x64xf32>
    %swap3A_8 = vector.shape_cast %swap3A_7 : vector<1x1024x64xf32> to vector<1024x64xf32>
    %swap3A_9 = vector.shape_cast %transpose3A : vector<1024x64xf32> to vector<1x1024x64xf32>
    tpu.vector_store %arg3[%swap3A, %swap3A_5, %swap3A_6], %swap3A_9 {strides = array<i32>} : memref<4x1024x128xf32, #tpu.memory_space<vmem>>, vector<1x1024x64xf32>,
    %get3A_10 = arith.constant 0 : index
    %get3A_11 = arith.constant 1024 : index
    %get3A_12 = vector.load %arg1[%get3A_10, %get3A_11] : memref<64x2048xf32, #tpu.memory_space<vmem>>, vector<64x1024xf32>
    %transpose3A_13 = tpu.transpose %get3A_12, [1, 0] : vector<64x1024xf32> -> vector<1024x64xf32>
    %swap3A_14 = arith.index_cast %rem3A_0 : i32 to index
    %swap3A_15 = arith.constant 0 : index
    %swap3A_16 = arith.constant 64 : index
    %swap3A_17 = vector.load %arg3[%swap3A_14, %swap3A_15, %swap3A_16] : memref<4x1024x128xf32, #tpu.memory_space<vmem>>, vector<1x1024x64xf32>
    %swap3A_18 = vector.shape_cast %swap3A_17 : vector<1x1024x64xf32> to vector<1024x64xf32>
    %swap3A_19 = vector.shape_cast %transpose3A_13 : vector<1024x64xf32> to vector<1x1024x64xf32>
    tpu.vector_store %arg3[%swap3A_14, %swap3A_15, %swap3A_16], %swap3A_19 {strides = array<i32>} : memref<4x1024x128xf32, #tpu.memory_space<vmem>>, vector<1x1024x64xf32>,
    %mul3A = arith.constant 1024 : i32
    %mul3A_20 = arith.muli %arg0, %mul3A : i32
    %dma_start3A = tpu.memref_slice %arg4[%rem3A_0] : memref<4x!tpu.dma_semaphore, #tpu.memory_space<semaphore_mem>> -> memref<1x!tpu.dma_semaphore, #tpu.memory_space<semaphore_mem>>
    %dma_start3A_21 = tpu.memref_squeeze %dma_start3A : memref<1x!tpu.dma_semaphore, #tpu.memory_space<semaphore_mem>> -> memref<!tpu.dma_semaphore, #tpu.memory_space<semaphore_mem>>
    %dma_start3A_22 = arith.constant 0 : i32
    %dma_start3A_23 = tpu.memref_slice %arg2[%mul3A_20, %dma_start3A_22] : memref<50176x128xf32, #tpu.memory_space<any>> -> memref<1024x128xf32, #tpu.memory_space<any>>
    %dma_start3A_24 = arith.constant 0 : i32
    %dma_start3A_25 = arith.constant 0 : i32
    %dma_start3A_26 = tpu.memref_slice %arg3[%rem3A_0, %dma_start3A_24, %dma_start3A_25] : memref<4x1024x128xf32, #tpu.memory_space<vmem>> -> memref<1x1024x128xf32, #tpu.memory_space<vmem>>
    %dma_start3A_27 = tpu.memref_squeeze %dma_start3A_26 : memref<1x1024x128xf32, #tpu.memory_space<vmem>> -> memref<1024x128xf32, #tpu.memory_space<vmem>>
    tpu.enqueue_dma source(%dma_start3A_27 : memref<1024x128xf32, #tpu.memory_space<vmem>>) target(%dma_start3A_23 : memref<1024x128xf32, #tpu.memory_space<any>>) target_semaphore(%dma_start3A_21 : memref<!tpu.dma_semaphore, #tpu.memory_space<semaphore_mem>>)
    %eq3A = arith.constant 48 : i32
    %eq3A_28 = arith.cmpi eq, %arg0, %eq3A : i32
    %convert_element_type3A_29 = arith.extui %eq3A_28 : i1 to i32
    %cond3A_30 = arith.constant 0 : i32
    %cond3A_31 = arith.cmpi ne, %convert_element_type3A_29, %cond3A_30 : i32
    scf.if %cond3A_31 {
      %dma_wait3A = arith.constant 0 : i32
      %dma_wait3A_32 = arith.constant 0 : i32
      %dma_wait3A_33 = tpu.memref_slice %arg4[%dma_wait3A_32] : memref<4x!tpu.dma_semaphore, #tpu.memory_space<semaphore_mem>> -> memref<1x!tpu.dma_semaphore, #tpu.memory_space<semaphore_mem>>
      %dma_wait3A_34 = tpu.memref_squeeze %dma_wait3A_33 : memref<1x!tpu.dma_semaphore, #tpu.memory_space<semaphore_mem>> -> memref<!tpu.dma_semaphore, #tpu.memory_space<semaphore_mem>>
      %dma_wait3A_35 = arith.constant 0 : i32
      %dma_wait3A_36 = arith.constant 0 : i32
      %dma_wait3A_37 = tpu.memref_slice %arg2[%dma_wait3A_35, %dma_wait3A_36] : memref<50176x128xf32, #tpu.memory_space<any>> -> memref<1024x128xf32, #tpu.memory_space<any>>
      %dma_wait3A_38 = arith.constant 0 : i32
      %dma_wait3A_39 = arith.constant 0 : i32
      %dma_wait3A_40 = tpu.memref_slice %arg3[%dma_wait3A, %dma_wait3A_38, %dma_wait3A_39] : memref<4x1024x128xf32, #tpu.memory_space<vmem>> -> memref<1x1024x128xf32, #tpu.memory_space<vmem>>
      %dma_wait3A_41 = tpu.memref_squeeze %dma_wait3A_40 : memref<1x1024x128xf32, #tpu.memory_space<vmem>> -> memref<1024x128xf32, #tpu.memory_space<vmem>>
      tpu.wait_dma2 semaphore(%dma_wait3A_34 : memref<!tpu.dma_semaphore, #tpu.memory_space<semaphore_mem>>) src(%dma_wait3A_41 : memref<1024x128xf32, #tpu.memory_space<vmem>>) dst(%dma_wait3A_37 : memref<1024x128xf32, #tpu.memory_space<any>>)
      %dma_wait3A_42 = arith.constant 1 : i32
      %dma_wait3A_43 = arith.constant 1 : i32
      %dma_wait3A_44 = tpu.memref_slice %arg4[%dma_wait3A_43] : memref<4x!tpu.dma_semaphore, #tpu.memory_space<semaphore_mem>> -> memref<1x!tpu.dma_semaphore, #tpu.memory_space<semaphore_mem>>
      %dma_wait3A_45 = tpu.memref_squeeze %dma_wait3A_44 : memref<1x!tpu.dma_semaphore, #tpu.memory_space<semaphore_mem>> -> memref<!tpu.dma_semaphore, #tpu.memory_space<semaphore_mem>>
      %dma_wait3A_46 = arith.constant 0 : i32
      %dma_wait3A_47 = arith.constant 0 : i32
      %dma_wait3A_48 = tpu.memref_slice %arg2[%dma_wait3A_46, %dma_wait3A_47] : memref<50176x128xf32, #tpu.memory_space<any>> -> memref<1024x128xf32, #tpu.memory_space<any>>
      %dma_wait3A_49 = arith.constant 0 : i32
      %dma_wait3A_50 = arith.constant 0 : i32
      %dma_wait3A_51 = tpu.memref_slice %arg3[%dma_wait3A_42, %dma_wait3A_49, %dma_wait3A_50] : memref<4x1024x128xf32, #tpu.memory_space<vmem>> -> memref<1x1024x128xf32, #tpu.memory_space<vmem>>
      %dma_wait3A_52 = tpu.memref_squeeze %dma_wait3A_51 : memref<1x1024x128xf32, #tpu.memory_space<vmem>> -> memref<1024x128xf32, #tpu.memory_space<vmem>>
      tpu.wait_dma2 semaphore(%dma_wait3A_45 : memref<!tpu.dma_semaphore, #tpu.memory_space<semaphore_mem>>) src(%dma_wait3A_52 : memref<1024x128xf32, #tpu.memory_space<vmem>>) dst(%dma_wait3A_48 : memref<1024x128xf32, #tpu.memory_space<any>>)
      %dma_wait3A_53 = arith.constant 2 : i32
      %dma_wait3A_54 = arith.constant 2 : i32
      %dma_wait3A_55 = tpu.memref_slice %arg4[%dma_wait3A_54] : memref<4x!tpu.dma_semaphore, #tpu.memory_space<semaphore_mem>> -> memref<1x!tpu.dma_semaphore, #tpu.memory_space<semaphore_mem>>
      %dma_wait3A_56 = tpu.memref_squeeze %dma_wait3A_55 : memref<1x!tpu.dma_semaphore, #tpu.memory_space<semaphore_mem>> -> memref<!tpu.dma_semaphore, #tpu.memory_space<semaphore_mem>>
      %dma_wait3A_57 = arith.constant 0 : i32
      %dma_wait3A_58 = arith.constant 0 : i32
      %dma_wait3A_59 = tpu.memref_slice %arg2[%dma_wait3A_57, %dma_wait3A_58] : memref<50176x128xf32, #tpu.memory_space<any>> -> memref<1024x128xf32, #tpu.memory_space<any>>
      %dma_wait3A_60 = arith.constant 0 : i32
      %dma_wait3A_61 = arith.constant 0 : i32
      %dma_wait3A_62 = tpu.memref_slice %arg3[%dma_wait3A_53, %dma_wait3A_60, %dma_wait3A_61] : memref<4x1024x128xf32, #tpu.memory_space<vmem>> -> memref<1x1024x128xf32, #tpu.memory_space<vmem>>
      %dma_wait3A_63 = tpu.memref_squeeze %dma_wait3A_62 : memref<1x1024x128xf32, #tpu.memory_space<vmem>> -> memref<1024x128xf32, #tpu.memory_space<vmem>>
      tpu.wait_dma2 semaphore(%dma_wait3A_56 : memref<!tpu.dma_semaphore, #tpu.memory_space<semaphore_mem>>) src(%dma_wait3A_63 : memref<1024x128xf32, #tpu.memory_space<vmem>>) dst(%dma_wait3A_59 : memref<1024x128xf32, #tpu.memory_space<any>>)
      %dma_wait3A_64 = arith.constant 3 : i32
      %dma_wait3A_65 = arith.constant 3 : i32
      %dma_wait3A_66 = tpu.memref_slice %arg4[%dma_wait3A_65] : memref<4x!tpu.dma_semaphore, #tpu.memory_space<semaphore_mem>> -> memref<1x!tpu.dma_semaphore, #tpu.memory_space<semaphore_mem>>
      %dma_wait3A_67 = tpu.memref_squeeze %dma_wait3A_66 : memref<1x!tpu.dma_semaphore, #tpu.memory_space<semaphore_mem>> -> memref<!tpu.dma_semaphore, #tpu.memory_space<semaphore_mem>>
      %dma_wait3A_68 = arith.constant 0 : i32
      %dma_wait3A_69 = arith.constant 0 : i32
      %dma_wait3A_70 = tpu.memref_slice %arg2[%dma_wait3A_68, %dma_wait3A_69] : memref<50176x128xf32, #tpu.memory_space<any>> -> memref<1024x128xf32, #tpu.memory_space<any>>
      %dma_wait3A_71 = arith.constant 0 : i32
      %dma_wait3A_72 = arith.constant 0 : i32
      %dma_wait3A_73 = tpu.memref_slice %arg3[%dma_wait3A_64, %dma_wait3A_71, %dma_wait3A_72] : memref<4x1024x128xf32, #tpu.memory_space<vmem>> -> memref<1x1024x128xf32, #tpu.memory_space<vmem>>
      %dma_wait3A_74 = tpu.memref_squeeze %dma_wait3A_73 : memref<1x1024x128xf32, #tpu.memory_space<vmem>> -> memref<1024x128xf32, #tpu.memory_space<vmem>>
      tpu.wait_dma2 semaphore(%dma_wait3A_67 : memref<!tpu.dma_semaphore, #tpu.memory_space<semaphore_mem>>) src(%dma_wait3A_74 : memref<1024x128xf32, #tpu.memory_space<vmem>>) dst(%dma_wait3A_70 : memref<1024x128xf32, #tpu.memory_space<any>>)
    } else {
    }
    return
  }
  func.func @transform_0(%arg0: i32) -> (i32, i32) {
    %c0_i32 = arith.constant 0 : i32
    %c0_i32_0 = arith.constant 0 : i32
    return %c0_i32, %arg0 : i32, i32
  }
}

module attributes {stable_mosaic.version = 14 : i64} {
  func.func @_mm_body(%arg0: i32, %arg1: memref<1024x1xi32, #tpu.memory_space<vmem>>, %arg2: memref<1024x128xf32, #tpu.memory_space<vmem>>, %arg3: memref<64x1024xf32, #tpu.memory_space<vmem>>, %arg4: memref<100000x1024xf32, #tpu.memory_space<any>>, %arg5: memref<64x1024xf32, #tpu.memory_space<vmem>>, %arg6: memref<6x1024x1024xf32, #tpu.memory_space<vmem>>, %arg7: memref<6x!tpu.dma_semaphore, #tpu.memory_space<semaphore_mem>>) attributes {dimension_semantics = [#tpu.dimension_semantics<arbitrary>], iteration_bounds = array<i64: 98>, scalar_prefetch = 0 : i64, scratch_operands = 3 : i64, tpu.core_type = #tpu.core_type<tc>, window_params = [{pipeline_mode = #tpu.pipeline_mode<synchronous>, transform_indices = @transform_0, window_bounds = array<i64: 1024, 1>}, {pipeline_mode = #tpu.pipeline_mode<synchronous>, transform_indices = @transform_1, window_bounds = array<i64: 1024, 128>}, {transform_indices = @transform_2, window_bounds = array<i64: 64, 1024>}, {}]} {
    %rem3A = arith.constant 6 : i32
    %rem3A_0 = arith.remsi %arg0, %rem3A : i32
    %eq3A = arith.constant 0 : i32
    %eq3A_1 = arith.cmpi eq, %arg0, %eq3A : i32
    %convert_element_type3A = arith.extui %eq3A_1 : i1 to i32
    %cond3A = arith.constant 0 : i32
    %cond3A_2 = arith.cmpi ne, %convert_element_type3A, %cond3A : i32
    scf.if %cond3A_2 {
      %get3A_27 = arith.constant 0 : index
      %get3A_28 = arith.constant 0 : index
      %get3A_29 = vector.load %arg1[%get3A_27, %get3A_28] : memref<1024x1xi32, #tpu.memory_space<vmem>>, vector<1024x1xi32>
      %shift_right_logical3A = arith.constant 10 : i32
      %shift_right_logical3A_30 = vector.broadcast %shift_right_logical3A : i32 to vector<1024x1xi32>
      %shift_right_logical3A_31 = arith.shrui %get3A_29, %shift_right_logical3A_30 : vector<1024x1xi32>
      %and3A = arith.constant 1 : i32
      %and3A_32 = vector.broadcast %and3A : i32 to vector<1024x1xi32>
      %and3A_33 = arith.andi %shift_right_logical3A_31, %and3A_32 : vector<1024x1xi32>
      %convert_element_type3A_34 = arith.sitofp %and3A_33 : vector<1024x1xi32> to vector<1024x1xf32>
      %get3A_35 = arith.constant 0 : index
      %get3A_36 = arith.constant 0 : index
      %get3A_37 = vector.load %arg2[%get3A_35, %get3A_36] : memref<1024x128xf32, #tpu.memory_space<vmem>>, vector<1024x64xf32>
      %sub3A = arith.constant 1.000000e+00 : f32
      %sub3A_38 = vector.broadcast %sub3A : f32 to vector<1024x1xf32>
      %sub3A_39 = arith.subf %sub3A_38, %convert_element_type3A_34 : vector<1024x1xf32>
      %mul3A = vector.broadcast %sub3A_39 : vector<1024x1xf32> to vector<1024x64xf32>
      %mul3A_40 = arith.mulf %get3A_37, %mul3A : vector<1024x64xf32>
      %get3A_41 = arith.constant 0 : index
      %get3A_42 = arith.constant 64 : index
      %get3A_43 = vector.load %arg2[%get3A_41, %get3A_42] : memref<1024x128xf32, #tpu.memory_space<vmem>>, vector<1024x64xf32>
      %mul3A_44 = vector.broadcast %convert_element_type3A_34 : vector<1024x1xf32> to vector<1024x64xf32>
      %mul3A_45 = arith.mulf %get3A_43, %mul3A_44 : vector<1024x64xf32>
      %add3A = arith.addf %mul3A_40, %mul3A_45 : vector<1024x64xf32>
      %transpose3A = tpu.transpose %add3A, [1, 0] : vector<1024x64xf32> -> vector<64x1024xf32>
      %swap3A_46 = arith.constant 0 : index
      %swap3A_47 = arith.constant 0 : index
      %swap3A_48 = vector.load %arg5[%swap3A_46, %swap3A_47] : memref<64x1024xf32, #tpu.memory_space<vmem>>, vector<64x1024xf32>
      tpu.vector_store %arg5[%swap3A_46, %swap3A_47], %transpose3A {strides = array<i32>} : memref<64x1024xf32, #tpu.memory_space<vmem>>, vector<64x1024xf32>,
    } else {
    }
    %ge3A = arith.constant 6 : i32
    %ge3A_3 = arith.cmpi sge, %arg0, %ge3A : i32
    %convert_element_type3A_4 = arith.extui %ge3A_3 : i1 to i32
    %cond3A_5 = arith.constant 0 : i32
    %cond3A_6 = arith.cmpi ne, %convert_element_type3A_4, %cond3A_5 : i32
    scf.if %cond3A_6 {
      %dma_wait3A = tpu.memref_slice %arg7[%rem3A_0] : memref<6x!tpu.dma_semaphore, #tpu.memory_space<semaphore_mem>> -> memref<1x!tpu.dma_semaphore, #tpu.memory_space<semaphore_mem>>
      %dma_wait3A_27 = tpu.memref_squeeze %dma_wait3A : memref<1x!tpu.dma_semaphore, #tpu.memory_space<semaphore_mem>> -> memref<!tpu.dma_semaphore, #tpu.memory_space<semaphore_mem>>
      %dma_wait3A_28 = arith.constant 0 : i32
      %dma_wait3A_29 = arith.constant 0 : i32
      %dma_wait3A_30 = tpu.memref_slice %arg4[%dma_wait3A_28, %dma_wait3A_29] : memref<100000x1024xf32, #tpu.memory_space<any>> -> memref<1024x1024xf32, #tpu.memory_space<any>>
      %dma_wait3A_31 = arith.constant 0 : i32
      %dma_wait3A_32 = arith.constant 0 : i32
      %dma_wait3A_33 = tpu.memref_slice %arg6[%rem3A_0, %dma_wait3A_31, %dma_wait3A_32] : memref<6x1024x1024xf32, #tpu.memory_space<vmem>> -> memref<1x1024x1024xf32, #tpu.memory_space<vmem>>
      %dma_wait3A_34 = tpu.memref_squeeze %dma_wait3A_33 : memref<1x1024x1024xf32, #tpu.memory_space<vmem>> -> memref<1024x1024xf32, #tpu.memory_space<vmem>>
      tpu.wait_dma2 semaphore(%dma_wait3A_27 : memref<!tpu.dma_semaphore, #tpu.memory_space<semaphore_mem>>) src(%dma_wait3A_34 : memref<1024x1024xf32, #tpu.memory_space<vmem>>) dst(%dma_wait3A_30 : memref<1024x1024xf32, #tpu.memory_space<any>>)
    } else {
    }
    %get3A = arith.constant 0 : index
    %get3A_7 = arith.constant 0 : index
    %get3A_8 = vector.load %arg3[%get3A, %get3A_7] : memref<64x1024xf32, #tpu.memory_space<vmem>>, vector<64x1024xf32>
    %get3A_9 = arith.constant 0 : index
    %get3A_10 = arith.constant 0 : index
    %get3A_11 = vector.load %arg5[%get3A_9, %get3A_10] : memref<64x1024xf32, #tpu.memory_space<vmem>>, vector<64x1024xf32>
    %dot_general3A = arith.constant dense<0.000000e+00> : vector<1024x1024xf32>
    %dot_general3A_12 = tpu.matmul %get3A_8, %get3A_11, %dot_general3A {dimension_numbers = #tpu.dot_dimension_numbers<[0], [0], [1], [1], [0, 1, 1, 1], [], []>, transpose_lhs_hint = true} : vector<64x1024xf32>, vector<64x1024xf32>, vector<1024x1024xf32> -> vector<1024x1024xf32>
    %swap3A = arith.index_cast %rem3A_0 : i32 to index
    %swap3A_13 = arith.constant 0 : index
    %swap3A_14 = arith.constant 0 : index
    %swap3A_15 = vector.load %arg6[%swap3A, %swap3A_13, %swap3A_14] : memref<6x1024x1024xf32, #tpu.memory_space<vmem>>, vector<1x1024x1024xf32>
    %swap3A_16 = vector.shape_cast %swap3A_15 : vector<1x1024x1024xf32> to vector<1024x1024xf32>
    %swap3A_17 = vector.shape_cast %dot_general3A_12 : vector<1024x1024xf32> to vector<1x1024x1024xf32>
    tpu.vector_store %arg6[%swap3A, %swap3A_13, %swap3A_14], %swap3A_17 {strides = array<i32>} : memref<6x1024x1024xf32, #tpu.memory_space<vmem>>, vector<1x1024x1024xf32>,
    %lt3A = arith.constant 97 : i32
    %lt3A_18 = arith.cmpi slt, %arg0, %lt3A : i32
    %convert_element_type3A_19 = arith.extui %lt3A_18 : i1 to i32
    %cond3A_20 = arith.constant 0 : i32
    %cond3A_21 = arith.cmpi ne, %convert_element_type3A_19, %cond3A_20 : i32
    scf.if %cond3A_21 {
      %mul3A = arith.constant 1024 : i32
      %mul3A_27 = arith.muli %arg0, %mul3A : i32
      %dma_start3A = tpu.memref_slice %arg7[%rem3A_0] : memref<6x!tpu.dma_semaphore, #tpu.memory_space<semaphore_mem>> -> memref<1x!tpu.dma_semaphore, #tpu.memory_space<semaphore_mem>>
      %dma_start3A_28 = tpu.memref_squeeze %dma_start3A : memref<1x!tpu.dma_semaphore, #tpu.memory_space<semaphore_mem>> -> memref<!tpu.dma_semaphore, #tpu.memory_space<semaphore_mem>>
      %dma_start3A_29 = arith.constant 0 : i32
      %dma_start3A_30 = tpu.memref_slice %arg4[%mul3A_27, %dma_start3A_29] : memref<100000x1024xf32, #tpu.memory_space<any>> -> memref<1024x1024xf32, #tpu.memory_space<any>>
      %dma_start3A_31 = arith.constant 0 : i32
      %dma_start3A_32 = arith.constant 0 : i32
      %dma_start3A_33 = tpu.memref_slice %arg6[%rem3A_0, %dma_start3A_31, %dma_start3A_32] : memref<6x1024x1024xf32, #tpu.memory_space<vmem>> -> memref<1x1024x1024xf32, #tpu.memory_space<vmem>>
      %dma_start3A_34 = tpu.memref_squeeze %dma_start3A_33 : memref<1x1024x1024xf32, #tpu.memory_space<vmem>> -> memref<1024x1024xf32, #tpu.memory_space<vmem>>
      tpu.enqueue_dma source(%dma_start3A_34 : memref<1024x1024xf32, #tpu.memory_space<vmem>>) target(%dma_start3A_30 : memref<1024x1024xf32, #tpu.memory_space<any>>) target_semaphore(%dma_start3A_28 : memref<!tpu.dma_semaphore, #tpu.memory_space<semaphore_mem>>)
    } else {
    }
    %eq3A_22 = arith.constant 97 : i32
    %eq3A_23 = arith.cmpi eq, %arg0, %eq3A_22 : i32
    %convert_element_type3A_24 = arith.extui %eq3A_23 : i1 to i32
    %cond3A_25 = arith.constant 0 : i32
    %cond3A_26 = arith.cmpi ne, %convert_element_type3A_24, %cond3A_25 : i32
    scf.if %cond3A_26 {
      %dma_start3A = arith.constant 1 : i32
      %dma_start3A_27 = arith.constant 1 : i32
      %dma_start3A_28 = tpu.memref_slice %arg7[%dma_start3A_27] : memref<6x!tpu.dma_semaphore, #tpu.memory_space<semaphore_mem>> -> memref<1x!tpu.dma_semaphore, #tpu.memory_space<semaphore_mem>>
      %dma_start3A_29 = tpu.memref_squeeze %dma_start3A_28 : memref<1x!tpu.dma_semaphore, #tpu.memory_space<semaphore_mem>> -> memref<!tpu.dma_semaphore, #tpu.memory_space<semaphore_mem>>
      %dma_start3A_30 = arith.constant 99328 : i32
      %dma_start3A_31 = arith.constant 0 : i32
      %dma_start3A_32 = tpu.memref_slice %arg4[%dma_start3A_30, %dma_start3A_31] : memref<100000x1024xf32, #tpu.memory_space<any>> -> memref<672x1024xf32, #tpu.memory_space<any>>
      %dma_start3A_33 = arith.constant 0 : i32
      %dma_start3A_34 = arith.constant 0 : i32
      %dma_start3A_35 = tpu.memref_slice %arg6[%dma_start3A, %dma_start3A_33, %dma_start3A_34] : memref<6x1024x1024xf32, #tpu.memory_space<vmem>> -> memref<1x672x1024xf32, #tpu.memory_space<vmem>>
      %dma_start3A_36 = tpu.memref_squeeze %dma_start3A_35 : memref<1x672x1024xf32, #tpu.memory_space<vmem>> -> memref<672x1024xf32, #tpu.memory_space<vmem>>
      tpu.enqueue_dma source(%dma_start3A_36 : memref<672x1024xf32, #tpu.memory_space<vmem>>) target(%dma_start3A_32 : memref<672x1024xf32, #tpu.memory_space<any>>) target_semaphore(%dma_start3A_29 : memref<!tpu.dma_semaphore, #tpu.memory_space<semaphore_mem>>)
      %dma_wait3A = arith.constant 0 : i32
      %dma_wait3A_37 = arith.constant 0 : i32
      %dma_wait3A_38 = tpu.memref_slice %arg7[%dma_wait3A_37] : memref<6x!tpu.dma_semaphore, #tpu.memory_space<semaphore_mem>> -> memref<1x!tpu.dma_semaphore, #tpu.memory_space<semaphore_mem>>
      %dma_wait3A_39 = tpu.memref_squeeze %dma_wait3A_38 : memref<1x!tpu.dma_semaphore, #tpu.memory_space<semaphore_mem>> -> memref<!tpu.dma_semaphore, #tpu.memory_space<semaphore_mem>>
      %dma_wait3A_40 = arith.constant 0 : i32
      %dma_wait3A_41 = arith.constant 0 : i32
      %dma_wait3A_42 = tpu.memref_slice %arg4[%dma_wait3A_40, %dma_wait3A_41] : memref<100000x1024xf32, #tpu.memory_space<any>> -> memref<1024x1024xf32, #tpu.memory_space<any>>
      %dma_wait3A_43 = arith.constant 0 : i32
      %dma_wait3A_44 = arith.constant 0 : i32
      %dma_wait3A_45 = tpu.memref_slice %arg6[%dma_wait3A, %dma_wait3A_43, %dma_wait3A_44] : memref<6x1024x1024xf32, #tpu.memory_space<vmem>> -> memref<1x1024x1024xf32, #tpu.memory_space<vmem>>
      %dma_wait3A_46 = tpu.memref_squeeze %dma_wait3A_45 : memref<1x1024x1024xf32, #tpu.memory_space<vmem>> -> memref<1024x1024xf32, #tpu.memory_space<vmem>>
      tpu.wait_dma2 semaphore(%dma_wait3A_39 : memref<!tpu.dma_semaphore, #tpu.memory_space<semaphore_mem>>) src(%dma_wait3A_46 : memref<1024x1024xf32, #tpu.memory_space<vmem>>) dst(%dma_wait3A_42 : memref<1024x1024xf32, #tpu.memory_space<any>>)
      %dma_wait3A_47 = arith.constant 1 : i32
      %dma_wait3A_48 = arith.constant 1 : i32
      %dma_wait3A_49 = tpu.memref_slice %arg7[%dma_wait3A_48] : memref<6x!tpu.dma_semaphore, #tpu.memory_space<semaphore_mem>> -> memref<1x!tpu.dma_semaphore, #tpu.memory_space<semaphore_mem>>
      %dma_wait3A_50 = tpu.memref_squeeze %dma_wait3A_49 : memref<1x!tpu.dma_semaphore, #tpu.memory_space<semaphore_mem>> -> memref<!tpu.dma_semaphore, #tpu.memory_space<semaphore_mem>>
      %dma_wait3A_51 = arith.constant 0 : i32
      %dma_wait3A_52 = arith.constant 0 : i32
      %dma_wait3A_53 = tpu.memref_slice %arg4[%dma_wait3A_51, %dma_wait3A_52] : memref<100000x1024xf32, #tpu.memory_space<any>> -> memref<672x1024xf32, #tpu.memory_space<any>>
      %dma_wait3A_54 = arith.constant 0 : i32
      %dma_wait3A_55 = arith.constant 0 : i32
      %dma_wait3A_56 = tpu.memref_slice %arg6[%dma_wait3A_47, %dma_wait3A_54, %dma_wait3A_55] : memref<6x1024x1024xf32, #tpu.memory_space<vmem>> -> memref<1x672x1024xf32, #tpu.memory_space<vmem>>
      %dma_wait3A_57 = tpu.memref_squeeze %dma_wait3A_56 : memref<1x672x1024xf32, #tpu.memory_space<vmem>> -> memref<672x1024xf32, #tpu.memory_space<vmem>>
      tpu.wait_dma2 semaphore(%dma_wait3A_50 : memref<!tpu.dma_semaphore, #tpu.memory_space<semaphore_mem>>) src(%dma_wait3A_57 : memref<672x1024xf32, #tpu.memory_space<vmem>>) dst(%dma_wait3A_53 : memref<672x1024xf32, #tpu.memory_space<any>>)
      %dma_wait3A_58 = arith.constant 2 : i32
      %dma_wait3A_59 = arith.constant 2 : i32
      %dma_wait3A_60 = tpu.memref_slice %arg7[%dma_wait3A_59] : memref<6x!tpu.dma_semaphore, #tpu.memory_space<semaphore_mem>> -> memref<1x!tpu.dma_semaphore, #tpu.memory_space<semaphore_mem>>
      %dma_wait3A_61 = tpu.memref_squeeze %dma_wait3A_60 : memref<1x!tpu.dma_semaphore, #tpu.memory_space<semaphore_mem>> -> memref<!tpu.dma_semaphore, #tpu.memory_space<semaphore_mem>>
      %dma_wait3A_62 = arith.constant 0 : i32
      %dma_wait3A_63 = arith.constant 0 : i32
      %dma_wait3A_64 = tpu.memref_slice %arg4[%dma_wait3A_62, %dma_wait3A_63] : memref<100000x1024xf32, #tpu.memory_space<any>> -> memref<1024x1024xf32, #tpu.memory_space<any>>
      %dma_wait3A_65 = arith.constant 0 : i32
      %dma_wait3A_66 = arith.constant 0 : i32
      %dma_wait3A_67 = tpu.memref_slice %arg6[%dma_wait3A_58, %dma_wait3A_65, %dma_wait3A_66] : memref<6x1024x1024xf32, #tpu.memory_space<vmem>> -> memref<1x1024x1024xf32, #tpu.memory_space<vmem>>
      %dma_wait3A_68 = tpu.memref_squeeze %dma_wait3A_67 : memref<1x1024x1024xf32, #tpu.memory_space<vmem>> -> memref<1024x1024xf32, #tpu.memory_space<vmem>>
      tpu.wait_dma2 semaphore(%dma_wait3A_61 : memref<!tpu.dma_semaphore, #tpu.memory_space<semaphore_mem>>) src(%dma_wait3A_68 : memref<1024x1024xf32, #tpu.memory_space<vmem>>) dst(%dma_wait3A_64 : memref<1024x1024xf32, #tpu.memory_space<any>>)
      %dma_wait3A_69 = arith.constant 3 : i32
      %dma_wait3A_70 = arith.constant 3 : i32
      %dma_wait3A_71 = tpu.memref_slice %arg7[%dma_wait3A_70] : memref<6x!tpu.dma_semaphore, #tpu.memory_space<semaphore_mem>> -> memref<1x!tpu.dma_semaphore, #tpu.memory_space<semaphore_mem>>
      %dma_wait3A_72 = tpu.memref_squeeze %dma_wait3A_71 : memref<1x!tpu.dma_semaphore, #tpu.memory_space<semaphore_mem>> -> memref<!tpu.dma_semaphore, #tpu.memory_space<semaphore_mem>>
      %dma_wait3A_73 = arith.constant 0 : i32
      %dma_wait3A_74 = arith.constant 0 : i32
      %dma_wait3A_75 = tpu.memref_slice %arg4[%dma_wait3A_73, %dma_wait3A_74] : memref<100000x1024xf32, #tpu.memory_space<any>> -> memref<1024x1024xf32, #tpu.memory_space<any>>
      %dma_wait3A_76 = arith.constant 0 : i32
      %dma_wait3A_77 = arith.constant 0 : i32
      %dma_wait3A_78 = tpu.memref_slice %arg6[%dma_wait3A_69, %dma_wait3A_76, %dma_wait3A_77] : memref<6x1024x1024xf32, #tpu.memory_space<vmem>> -> memref<1x1024x1024xf32, #tpu.memory_space<vmem>>
      %dma_wait3A_79 = tpu.memref_squeeze %dma_wait3A_78 : memref<1x1024x1024xf32, #tpu.memory_space<vmem>> -> memref<1024x1024xf32, #tpu.memory_space<vmem>>
      tpu.wait_dma2 semaphore(%dma_wait3A_72 : memref<!tpu.dma_semaphore, #tpu.memory_space<semaphore_mem>>) src(%dma_wait3A_79 : memref<1024x1024xf32, #tpu.memory_space<vmem>>) dst(%dma_wait3A_75 : memref<1024x1024xf32, #tpu.memory_space<any>>)
      %dma_wait3A_80 = arith.constant 4 : i32
      %dma_wait3A_81 = arith.constant 4 : i32
      %dma_wait3A_82 = tpu.memref_slice %arg7[%dma_wait3A_81] : memref<6x!tpu.dma_semaphore, #tpu.memory_space<semaphore_mem>> -> memref<1x!tpu.dma_semaphore, #tpu.memory_space<semaphore_mem>>
      %dma_wait3A_83 = tpu.memref_squeeze %dma_wait3A_82 : memref<1x!tpu.dma_semaphore, #tpu.memory_space<semaphore_mem>> -> memref<!tpu.dma_semaphore, #tpu.memory_space<semaphore_mem>>
      %dma_wait3A_84 = arith.constant 0 : i32
      %dma_wait3A_85 = arith.constant 0 : i32
      %dma_wait3A_86 = tpu.memref_slice %arg4[%dma_wait3A_84, %dma_wait3A_85] : memref<100000x1024xf32, #tpu.memory_space<any>> -> memref<1024x1024xf32, #tpu.memory_space<any>>
      %dma_wait3A_87 = arith.constant 0 : i32
      %dma_wait3A_88 = arith.constant 0 : i32
      %dma_wait3A_89 = tpu.memref_slice %arg6[%dma_wait3A_80, %dma_wait3A_87, %dma_wait3A_88] : memref<6x1024x1024xf32, #tpu.memory_space<vmem>> -> memref<1x1024x1024xf32, #tpu.memory_space<vmem>>
      %dma_wait3A_90 = tpu.memref_squeeze %dma_wait3A_89 : memref<1x1024x1024xf32, #tpu.memory_space<vmem>> -> memref<1024x1024xf32, #tpu.memory_space<vmem>>
      tpu.wait_dma2 semaphore(%dma_wait3A_83 : memref<!tpu.dma_semaphore, #tpu.memory_space<semaphore_mem>>) src(%dma_wait3A_90 : memref<1024x1024xf32, #tpu.memory_space<vmem>>) dst(%dma_wait3A_86 : memref<1024x1024xf32, #tpu.memory_space<any>>)
      %dma_wait3A_91 = arith.constant 5 : i32
      %dma_wait3A_92 = arith.constant 5 : i32
      %dma_wait3A_93 = tpu.memref_slice %arg7[%dma_wait3A_92] : memref<6x!tpu.dma_semaphore, #tpu.memory_space<semaphore_mem>> -> memref<1x!tpu.dma_semaphore, #tpu.memory_space<semaphore_mem>>
      %dma_wait3A_94 = tpu.memref_squeeze %dma_wait3A_93 : memref<1x!tpu.dma_semaphore, #tpu.memory_space<semaphore_mem>> -> memref<!tpu.dma_semaphore, #tpu.memory_space<semaphore_mem>>
      %dma_wait3A_95 = arith.constant 0 : i32
      %dma_wait3A_96 = arith.constant 0 : i32
      %dma_wait3A_97 = tpu.memref_slice %arg4[%dma_wait3A_95, %dma_wait3A_96] : memref<100000x1024xf32, #tpu.memory_space<any>> -> memref<1024x1024xf32, #tpu.memory_space<any>>
      %dma_wait3A_98 = arith.constant 0 : i32
      %dma_wait3A_99 = arith.constant 0 : i32
      %dma_wait3A_100 = tpu.memref_slice %arg6[%dma_wait3A_91, %dma_wait3A_98, %dma_wait3A_99] : memref<6x1024x1024xf32, #tpu.memory_space<vmem>> -> memref<1x1024x1024xf32, #tpu.memory_space<vmem>>
      %dma_wait3A_101 = tpu.memref_squeeze %dma_wait3A_100 : memref<1x1024x1024xf32, #tpu.memory_space<vmem>> -> memref<1024x1024xf32, #tpu.memory_space<vmem>>
      tpu.wait_dma2 semaphore(%dma_wait3A_94 : memref<!tpu.dma_semaphore, #tpu.memory_space<semaphore_mem>>) src(%dma_wait3A_101 : memref<1024x1024xf32, #tpu.memory_space<vmem>>) dst(%dma_wait3A_97 : memref<1024x1024xf32, #tpu.memory_space<any>>)
    } else {
    }
    return
  }
  func.func @transform_0(%arg0: i32) -> (i32, i32) {
    %c0_i32 = arith.constant 0 : i32
    %c0_i32_0 = arith.constant 0 : i32
    %c0_i32_1 = arith.constant 0 : i32
    return %c0_i32, %c0_i32_0 : i32, i32
  }
  func.func @transform_1(%arg0: i32) -> (i32, i32) {
    %c0_i32 = arith.constant 0 : i32
    %c0_i32_0 = arith.constant 0 : i32
    %c0_i32_1 = arith.constant 0 : i32
    return %c0_i32, %c0_i32_0 : i32, i32
  }
  func.func @transform_2(%arg0: i32) -> (i32, i32) {
    %c0_i32 = arith.constant 0 : i32
    %c0_i32_0 = arith.constant 0 : i32
    return %c0_i32, %arg0 : i32, i32
  }
}

</mosaic_0001>

<sc_bundles>
// kernel: kernel.5.cloned.1.call-start
scs
__scs_entry_jumppad:
0x0: {  	(pc) =	sbr.rel $0x88, $3  }
0x1: {  	(tag) =	ssettag $0x0;
	lr =	simm.s32 $0x1  }
0x2: {  	[smem:$0x3F9E] =	sst lr;
	_ =	strace $0xD0000000  }
0x3: {  	_ = 	snop  }
0x4: {  	_ = 	snop  }
0x5: {  	_ = 	snop  }
0x6: {  	_ = 	snop  }
0x7: {  	_ = 	snop  }
__scs_overlays_trampoline_lowered:
0x8: {  	[smem:$0x3FAD] =	sst s0  }
0x9: {  	[smem:$0x3FAE] =	sst s1  }
0xa: {  	[smem:$0x3FAF] =	sst s2  }
0xb: {  	[smem:$0x3FB0] =	sst s3  }
0xc: {  	[smem:$0x3FB1] =	sst s4  }
0xd: {  	[smem:$0x3FB2] =	sst s5  }
0xe: {  	[smem:$0x3FB3] =	sst s6  }
0xf: {  	[smem:$0x3FB4] =	sst s7  }
0x10: {  	[smem:$0x3FB5] =	sst s8  }
0x11: {  	[smem:$0x3FB6] =	sst s9;
	s0 =	simm.s32 @!p0 $0x0  }
0x12: {  	s1 =	sld [smem:$0x3F9C];
	s0 =	simm.s32 @p0 $0x1  }
0x13: {  	[smem:$0x3FB7] =	sst s0;
	s0 =	simm.s32 @!p1 $0x0  }
0x14: {  	s2 =	sld [smem:$0x3F9B];
	s0 =	simm.s32 @p1 $0x1  }
0x15: {  	[smem:$0x3FB8] =	sst s0;
	s0 =	simm.s32 @!p2 $0x0  }
0x16: {  	s3 =	sld [smem:$0x3FDB];
	s0 =	simm.s32 @p2 $0x1  }
0x17: {  	s4 =	simm.s32 $0x1BF5;
	[smem:$0x3FBA] =	sst s0  }
0x18: {  	s0 =	sld [smem:$0x3F9D];
	_ =	swait.ge [sflag:s4], $0x0  }
0x19: {  	s7 =	sld [smem:$0x3F9E]  }
0x1a: {  	s8 =	sadd.s32 $0xFFFFE003, lr  }
0x1b: {  	s9 =	sadd.s32 $0xFFFFFEF7, lr;
	s5 =	simm.s32 $0xFFFFFFFF;
	p2 =	slt.u32 s8, $0xFFFFF086  }
0x1c: {  	p1 =	slt.u32 s9, $0xF7A;
	s5 =	simm.s32 @!p2 $0x0  }
0x1d: {  	s5 =	simm.s32 @p1 $0x1;
	p0 =	seq.s32 s7, s2  }
0x1e: {  	s7 =	smul.u32 @!p0 $0xF7A, s2;
	p2 =	seq.s32 @!p0 s5, $0x0  }
0x1f: {  	s9 =	smul.u32 $0xF7A, s1;
	s8 =	simm.s32 @!p0 $0x1BF5;
	p2 =	por !p2, p0  }
0x20: {  	[sflag:s8] =	ssyncset.s32 @!p0 $0xFFFFF086;
	s6 =	sadd.s32 @!p0 s3, s7;
	s7 =	simm.s32 @!p0 $0x108  }
0x21: {  	s3 =	sadd.s32 s3, s9;
	s6 =	sadd.s32 @!p0 $0x88, s6;
	s7 =	simm.s32 @p2 $0x1082  }
0x22: {  	[simem:s7], [sflag:s8] =	dma.local @!p0 [hbm:s6], $0xF7A  }
0x23: {  	s9 =	sor.u32 $0xD0000000, s2;
	s6 =	simm.s32 $0x108;
	_ =	swait.ge @!p0 [sflag:s8], $0x0  }
0x24: {  	s3 =	sadd.s32 $0x88, s3;
	s6 =	simm.s32 @!p1 $0x1082;
	[sflag:s4] =	ssyncset.s32 $0xFFFFF086  }
0x25: {  	[simem:s6], [sflag:s4] =	dma.local [hbm:s3], $0xF7A  }
0x26: {  	[smem:$0x3F9E] =	sst s1;
	(tag) =	ssettag s2;
	_ =	strace s9  }
0x27: {  	s1 =	sld [smem:$0x3FAE]  }
0x28: {  	s2 =	sld [smem:$0x3FAF]  }
0x29: {  	s4 =	sld [smem:$0x3FB1]  }
0x2a: {  	p0 =	seq.s32 s5, $0x0;
	s5 =	sld [smem:$0x3FB2]  }
0x2b: {  	s6 =	sld [smem:$0x3FB3]  }
0x2c: {  	s7 =	sld [smem:$0x3FB4]  }
0x2d: {  	s3 =	simm.s32 $0x108;
	s8 =	sld [smem:$0x3FB5]  }
0x2e: {  	s3 =	simm.s32 @!p0 $0x1082;
	s9 =	sld [smem:$0x3FB6]  }
0x2f: {  	lr =	sadd.s32 s0, s3;
	s0 =	sld [smem:$0x3FAD]  }
0x30: {  	s3 =	sld [smem:$0x3FB0]  }
0x31: {  	[smem:$0x3FB9] =	sst s10  }
0x32: {  	s10 =	sld [smem:$0x3FB7];
	_ =	sdelay $0x3  }
0x33: {  	p0 =	seq.s32 s10, $0x1;
	s10 =	sld [smem:$0x3FB9];
	_ =	sdelay $0x3  }
0x34: {  	[smem:$0x3FB9] =	sst s10  }
0x35: {  	s10 =	sld [smem:$0x3FB8];
	_ =	sdelay $0x3  }
0x36: {  	p1 =	seq.s32 s10, $0x1;
	s10 =	sld [smem:$0x3FB9];
	_ =	sdelay $0x3  }
0x37: {  	[smem:$0x3FB9] =	sst s10  }
0x38: {  	s10 =	sld [smem:$0x3FBA]  }
0x39: {  	_ = 	snop;
	(pc) =	sbr.ind lr, $3  }
0x3a: {  	_ = 	snop  }
0x3b: {  	_ = 	snop  }
0x3c: {  	p2 =	seq.s32 s10, $0x1;
	s10 =	sld [smem:$0x3FB9]  }
0x3d: {  	_ =	shalt  }
0x3e: {  	_ =	shalt  }
0x3f: {  	_ =	shalt  }
0x40: {  	_ =	shalt  }
0x41: {  	_ =	shalt  }
0x42: {  	_ =	shalt  }
0x43: {  	_ =	shalt  }
0x44: {  	_ =	shalt  }
0x45: {  	_ =	shalt  }
0x46: {  	_ =	shalt  }
0x47: {  	_ =	shalt  }
0x48: {  	_ =	shalt  }
0x49: {  	_ =	shalt  }
0x4a: {  	_ =	shalt  }
0x4b: {  	_ =	shalt  }
0x4c: {  	_ =	shalt  }
0x4d: {  	_ =	shalt  }
0x4e: {  	_ =	shalt  }
0x4f: {  	_ =	shalt  }
0x50: {  	_ =	shalt  }
0x51: {  	_ =	shalt  }
0x52: {  	_ =	shalt  }
0x53: {  	_ =	shalt  }
0x54: {  	_ =	shalt  }
0x55: {  	_ =	shalt  }
0x56: {  	_ =	shalt  }
0x57: {  	_ =	shalt  }
0x58: {  	_ =	shalt  }
0x59: {  	_ =	shalt  }
0x5a: {  	_ =	shalt  }
0x5b: {  	_ =	shalt  }
0x5c: {  	_ =	shalt  }
0x5d: {  	_ =	shalt  }
0x5e: {  	_ =	shalt  }
0x5f: {  	_ =	shalt  }
0x60: {  	_ =	shalt  }
0x61: {  	_ =	shalt  }
0x62: {  	_ =	shalt  }
0x63: {  	_ =	shalt  }
0x64: {  	_ =	shalt  }
0x65: {  	_ =	shalt  }
0x66: {  	_ =	shalt  }
0x67: {  	_ =	shalt  }
0x68: {  	_ =	shalt  }
0x69: {  	_ =	shalt  }
0x6a: {  	_ =	shalt  }
0x6b: {  	_ =	shalt  }
0x6c: {  	_ =	shalt  }
0x6d: {  	_ =	shalt  }
0x6e: {  	_ =	shalt  }
0x6f: {  	_ =	shalt  }
0x70: {  	_ =	shalt  }
0x71: {  	_ =	shalt  }
0x72: {  	_ =	shalt  }
0x73: {  	_ =	shalt  }
0x74: {  	_ =	shalt  }
0x75: {  	_ =	shalt  }
0x76: {  	_ =	shalt  }
0x77: {  	_ =	shalt  }
0x78: {  	_ =	shalt  }
0x79: {  	_ =	shalt  }
0x7a: {  	_ =	shalt  }
0x7b: {  	_ =	shalt  }
0x7c: {  	_ =	shalt  }
0x7d: {  	_ =	shalt  }
0x7e: {  	_ =	shalt  }
0x7f: {  	_ =	shalt  }
0x80: {  	_ =	shalt  }
0x81: {  	_ =	shalt  }
0x82: {  	_ =	shalt  }
0x83: {  	_ =	shalt  }
0x84: {  	_ =	shalt  }
0x85: {  	_ =	shalt  }
0x86: {  	_ =	shalt  }
0x87: {  	_ =	shalt  }
.Lfunc_end0:
.L_simem_size_0:
called_computation_lowered:
.L_overlay_start_0:
0x88: {  	s2 =	sld [smem:$0x3FD9]  }
0x89: {  	s3 =	sld [smem:$0x3FFE];
	_ =	sdelay $0x1  }
0x8a: {  	s1 =	srdreg.scid  }
0x8b: {  	s0 =	sand.u32 $0x1, s1  }
0x8c: {  	s17 =	sshll.u32 s0, $0xA;
	s2 =	sadd.s32 s3, s2  }
0x8d: {  	s2 =	sadd.s32 s2, s17  }
0x8e: {  	[smem:$0x3FC5] =	sst s2  }
0x8f: {  	_ = 	snop  }
0x90: {  	s2 =	sld [smem:$0x3FC9]  }
0x91: {  	s18 =	sld [smem:$0x3FD0];
	(tm) =	ssettm $0x1  }
0x92: {  	s4 =	sld [smem:$0x3FFB];
	_ =	sdelay $0x3  }
0x93: {  	_ =	strace s4  }
0x94: {  	s4 =	sld [smem:$0x3FFC];
	_ =	sdelay $0x3  }
0x95: {  	_ =	strace s4  }
0x96: {  	s4 =	sld [smem:$0x3FFD];
	_ =	sdelay $0x3  }
0x97: {  	_ =	strace s4  }
0x98: {  	_ =	strace $0x8FFFFFFF  }
0x99: {  	s19 =	sld [smem:$0x3FDB];
	_ =	sdelay $0x1  }
0x9a: {  	s5 =	simm.s32 $_scs_section_size  }
0x9b: {  	s6 =	simm.s32 $_size__tile_overlayer_lowered;
	s7 =	simm.s32 $_tile_overlayer_lowered  }
0x9c: {  	s22 =	simm.s32 $0x1BFF;
	s21 =	sshll.u32 s7, $0x1;
	s4 =	sadd.s32 s5, s19  }
0x9d: {  	s8 =	simm.s32 $0x0;
	s20 =	sshll.u32 s6, $0x1;
	s6 =	sadd.s32 s21, s4  }
0x9e: {  	[timem:s8], [sflag:s22] =	dma.local [hbm:s6], s20  }
0x9f: {  	_ =	swait.ge [sflag:s22], s20  }
0xa0: {  	s5 =	ssub.s32 $0x0, s20;
	[sflag:s22] =	ssyncset.done $0x0  }
0xa1: {  	[sflag:s22] =	ssyncadd.s32 s5;
	_ =	sdelay $0x1  }
0xa2: {  	s23 =	simm.s32 $0x1B8B  }
0xa3: {  	_ =	swait.ge [sflag:s23], $0x1  }
0xa4: {  	[sflag:s23] =	ssyncset.done $0x0  }
0xa5: {  	s25 =	simm.s32 $0x1B8E;
	s24 =	sld [smem:$0x3FFE];
	[sflag:s23] =	ssyncadd.s32 $0xFFFFFFFF  }
0xa6: {  	s26 =	simm.s32 $execute0_lowered;
	[smem:$0x3FD2] =	sst s25  }
0xa7: {  	s6 =	sshll.u32 s26, $0x1;
	_ =	strace $0x80000046;
	[dreg:$0x1] =	wrdreg $0xFFFFFFFF  }
0xa8: {  	s28 =	simm.s32 $_size_execute0_lowered;
	s4 =	sadd.s32 s4, s6;
	[dreg:$0x0] =	wrdreg $0x0  }
0xa9: {  	s6 =	sshll.u32 s28, $0x1;
	[dreg:$0x2] =	wrdreg s4  }
0xaa: {  	[dreg:$0x3] =	wrdreg s6  }
0xab: {  	[dreg:$0x4] =	wrdreg $0xC0  }
0xac: {  	_ =	task [dreg:s8], $0x5FFFF  }
0xad: {  	[dreg:$0x1] =	wrdreg $0xFFFFFFFF  }
0xae: {  	[dreg:$0x0] =	wrdreg $0x60  }
0xaf: {  	[dreg:$0x2] =	wrdreg s2  }
0xb0: {  	[dreg:$0x3] =	wrdreg s18  }
0xb1: {  	[dreg:$0x4] =	wrdreg s24  }
0xb2: {  	[dreg:$0x5] =	wrdreg $0x9  }
0xb3: {  	_ =	task.clear_ibuf [dreg:s8], $0x6FFFF;
	_ =	strace $0x90000046  }
0xb4: {  	s29 =	simm.s32 $0x9;
	_ =	strace $0x80000048  }
0xb5: {  	_ =	swait.ge [sflag:s29], $0x1  }
0xb6: {  	[sflag:s29] =	ssyncadd.s32 $0xFFFFFFFF  }
0xb7: {  	_ =	strace $0x90000048  }
0xb8: {  	_ =	sfence  }
0xb9: {  	s30 =	sld [smem:$0x0];
	_ =	sdelay $0x2  }
0xba: {  	s31 =	sshll.u32 s1, $0xD;
	s1 =	sshrl.u32 s1, $0x2  }
0xbb: {  	s3 =	sand.u32 $0x4000, s31;
	s1 =	sadd.s32 s1, s30  }
0xbc: {  	s0 =	sor.u32 s3, s0;
	s1 =	sshll.u32 s1, $0x11  }
0xbd: {  	s0 =	sor.u32 s1, s0  }
0xbe: {  	s0 =	sadd.s32 $0x8F2B, s0  }
0xbf: {  	[sflag:s0] =	ssyncadd.remote.s32 $0x1  }
0xc0: {  	_ =	sfence.sel $0xFFFF  }
0xc1: {  	[dreg:$0x0] =	wrdreg $0xFFFFFFFF;
	(pc) =	sbr.abs _section_cstart, $3  }
0xc2: {  	[dreg:$0x1] =	wrdreg $0xFFFFFFFF  }
0xc3: {  	_ =	task.clear_ibuf [dreg:s8], $0x2FFFF;
	_ =	strace $0x9FFFFFFF  }
0xc4: {  	(tm) =	ssettm $0x7FFFFFFF  }
0xc5: {  	_ =	shalt  }
tec
execute0_lowered:
.L_overlay_start_1:
0x0: {  	(tag) =	ssettag $0x1  }
0x1: {  	s4 =	rddreg [dreg:$0x0];
	s1 =	srdreg.scid  }
0x2: {  	s2 =	rddreg [dreg:$0x1];
	s0 =	stileid.u32;
	s6 =	sand.u32 $0x1, s1  }
0x3: {  	s10 =	rddreg [dreg:$0x2];
	s5 =	sshll.u32 s0, $0x6;
	s7 =	sshll.u32 s6, $0x5  }
0x4: {  	s3 =	simm.s32 $0x0;
	s1 =	rddreg [dreg:$0x3];
	s11 =	sor.u32 s7, s5  }
0x5: {  	[smem:$0x7FF] =	sst s3;
	s5 =	sshrl.u32 s11, $0x3  }
0x6: {  	_ =	strace $0x80000047;
	s5 =	sadd.s32 s4, s5;
	s4 =	simm.s32 $0x2  }
0x7: {  	[tilespmem:s3], [sflag:$0x2] =	stream.linear.gather [hbm4b:s5+s3], $0x20, $0x38;
	[tilespmem:$0x1100] =	vst v63  }
0x8: {  	_ =	swait.ge [sflag:s4], $0x20  }
0x9: {  	[sflag:s4] =	ssyncset.done $0x0  }
0xa: {  	[sflag:s4] =	ssyncadd.s32 $0xFFFFFFE0  }
0xb: {  	v0 =	vld [tilespmem:$0x0]  }
0xc: {  	v1 =	vld [tilespmem:$0x10];
	_ =	sdelay $0x3  }
0xd: {  	s12 =	ssub.s32 $0x2, s6;
	v2 =	vshrl.u32 v0, $0x1  }
0xe: {  	s13 =	sshrl.u32 s12, $0x1;
	v0 =	vand.u32 $0x3FF, v0;
	v3 =	vshrl.u32 v1, $0x1;
	v2 =	vand.u32 $0x7FFFFC00, v2  }
0xf: {  	s8 =	simm.s32 $0x100;
	s11 =	sshll.u32 s11, $0x4;
	s31 =	ssub.s32 s12, s13;
	v1 =	vand.u32 $0x3FF, v1;
	v62 =	vand.u32 $0x7FFFFC00, v3;
	v0 =	vor.u32 v0, v2  }
0x10: {  	s9 =	simm.s32 $0x1;
	s10 =	sadd.s32 s11, s10;
	s11 =	smax.u32 s31, $0x1;
	v63 =	vor.u32 v1, v62;
	[tilespmem:$0x80] =	vst v0  }
0x11: {  	s6 =	simm.s32 $0x20;
	s7 =	simm.s32 $0x80;
	p0 =	sne.s32 s11, $0x1;
	[tilespmem:$0x90] =	vst v63  }
0x12: {  	[tilespmem:s8], [sflag:$0x1] =	stream.indirect.gather [hbm4b:s2+s6], $0x80, s7, s6, $0xb8;
	[tilespmem:$0x1100] =	vst v63  }
.Ltmp0:
0x13: {  	_ =	swait.ge [sflag:s9], $0x1000;
	(pc) =	sbr.rel @!p0 .LBB2_2-.Ltmp0, $4  }
0x14: {  	[sflag:s9] =	ssyncset.done $0x0  }
0x15: {  	s10 =	sadd.s32 $0x800, s10;
	[sflag:s9] =	ssyncadd.s32 $0xFFFFF000  }
0x16: {  	[hbm4b:s10+s3] =	stream.linear.scatter [tilespmem:s8], [sflag:$0x2], $0x1000, $0x38;
	[tilespmem:$0x1100] =	vst v63  }
0x17: {  	s11 =	sadd.s32 $0xFFFFFFFF, s11;
	_ =	swait.ge [sflag:s4], $0x1000  }
.LBB2_1:
0x18: {  	p0 =	sne.s32 s11, $0x1;
	s11 =	sadd.s32 $0xFFFFFFFF, s11;
	[sflag:s4] =	ssyncset.done $0x0  }
0x19: {  	[sflag:s4] =	ssyncadd.s32 $0xFFFFF000  }
0x1a: {  	[tilespmem:s3], [sflag:$0x2] =	stream.linear.gather [hbm4b:s5+s3], $0x20, $0x38;
	[tilespmem:$0x1100] =	vst v63  }
0x1b: {  	_ =	swait.ge [sflag:s4], $0x20  }
0x1c: {  	[sflag:s4] =	ssyncset.done $0x0  }
0x1d: {  	[sflag:s4] =	ssyncadd.s32 $0xFFFFFFE0  }
0x1e: {  	v0 =	vld [tilespmem:$0x0]  }
0x1f: {  	v1 =	vld [tilespmem:$0x10];
	_ =	sdelay $0x3  }
0x20: {  	v2 =	vshrl.u32 v0, $0x1;
	v0 =	vand.u32 $0x3FF, v0  }
0x21: {  	v2 =	vand.u32 $0x7FFFFC00, v2;
	v3 =	vshrl.u32 v1, $0x1;
	v1 =	vand.u32 $0x3FF, v1  }
0x22: {  	v0 =	vor.u32 v0, v2;
	v2 =	vand.u32 $0x7FFFFC00, v3  }
0x23: {  	[tilespmem:$0x80] =	vst v0;
	v0 =	vor.u32 v1, v2  }
0x24: {  	[tilespmem:$0x90] =	vst v0  }
0x25: {  	[tilespmem:s8], [sflag:$0x1] =	stream.indirect.gather [hbm4b:s2+s6], $0x80, s7, s6, $0xb8;
	[tilespmem:$0x1100] =	vst v63  }
.Ltmp1:
0x26: {  	_ =	swait.ge [sflag:s9], $0x1000;
	(pc) =	sbr.rel @p0 .LBB2_1-.Ltmp1, $4  }
0x27: {  	[sflag:s9] =	ssyncset.done $0x0  }
0x28: {  	[sflag:s9] =	ssyncadd.s32 $0xFFFFF000  }
0x29: {  	[hbm4b:s10+s3] =	stream.linear.scatter [tilespmem:s8], [sflag:$0x2], $0x1000, $0x38;
	[tilespmem:$0x1100] =	vst v63  }
0x2a: {  	_ =	swait.ge [sflag:s4], $0x1000  }
.LBB2_2:
0x2b: {  	[sflag:s4] =	ssyncset.done $0x0  }
0x2c: {  	[sflag:s4] =	ssyncadd.s32 $0xFFFFF000  }
0x2d: {  	_ =	sfence.sel $0x180000  }
0x2e: {  	[bflag:$0x0] =	sbarrier.arrive $0xFFFF  }
0x2f: {  	p0 =	sne.s32 s0, $0x0;
	_ =	strace $0x90000047  }
0x30: {  	s0 =	sadd.s32 @!p0 $0x100000, s1;
	[bflag:$0x2] =	sbarrier.arrive $0xFFFF  }
0x31: {  	[sflag:s0] =	ssyncadd.tile.s32 @!p0 $0x1;
	_ =	shalt  }
.Lfunc_end2:
_tile_overlayer_lowered:
.L_overlay_start_2:
0x32: {  	(tag) =	ssettag $0x2  }
0x33: {  	s0 =	rddreg [dreg:$0x0];
	s2 =	stileid.u32  }
0x34: {  	s1 =	rddreg [dreg:$0x1];
	p0 =	sne.s32 s2, $0x0  }
0x35: {  	s3 =	rddreg [dreg:$0x2];
	[bflag:$0x3] =	sbarrier.arrive $0xFFFF;
	s2 =	simm.s32 @!p0 $0x1C02  }
0x36: {  	[timem:s3], [sflag:s2] =	dma.local @!p0 [hbm:s0], s1  }
0x37: {  	s0 =	simm.s32 @!p0 $0x2  }
0x38: {  	_ =	swait.ge @!p0 [sflag:s0], s1  }
0x39: {  	s1 =	ssub.s32 @!p0 $0x0, s1;
	[sflag:s0] =	ssyncset.done @!p0 $0x0  }
0x3a: {  	[sflag:s0] =	ssyncadd.s32 @!p0 s1  }
0x3b: {  	[bflag:$0x3] =	sbarrier.arrive $0xFFFF  }
0x3c: {  	_ =	shalt  }

</sc_bundles>
